<compile_context>
chip_gen: v7x
topology: tpu7x:2x2x1
jax: 0.10.2.dev20260603
libtpu: 0.0.44.dev20260713+nightly
codegen_flags: <defaults>
</compile_context>

<pallas_src>
import functools

import jax
import jax.numpy as jnp
from jax import lax
from jax.experimental import pallas as pl
from jax.experimental.pallas import tpu as pltpu
from jax.experimental.pallas import tpu_sc as plsc

VOCAB = 1000000
EMBED_DIM = 32
BATCH = 4096
HIST = 50

_info = plsc.get_sparse_core_info()
_NC, _NS = _info.num_cores, _info.num_subcores
_NW = _NC * _NS

_mesh = plsc.VectorSubcoreMesh(core_axis_name="c", subcore_axis_name="s")


@functools.partial(
    pl.kernel,
    out_type=jax.ShapeDtypeStruct((HIST, EMBED_DIM, BATCH), jnp.float32),
    mesh=_mesh,
    compiler_params=pltpu.CompilerParams(use_tc_tiling_on_sc=False),
    scratch_types=[
        pltpu.VMEM((BATCH,), jnp.int32),
        pltpu.VMEM((BATCH,), jnp.int32),
        pltpu.VMEM((BATCH,), jnp.float32),
        pltpu.VMEM((BATCH,), jnp.float32),
        pltpu.SemaphoreType.DMA,
        pltpu.SemaphoreType.DMA,
        pltpu.SemaphoreType.DMA,
        pltpu.SemaphoreType.DMA,
        pltpu.SemaphoreType.DMA,
        pltpu.SemaphoreType.DMA,
    ],
)
def _gather_kernel(idx_hbm, tbl_hbm, out_hbm, idx0, idx1, buf0, buf1,
                   isem0, isem1, gsem0, gsem1, osem0, osem1):
    wid = lax.axis_index("s") * _NC + lax.axis_index("c")

    def fire_i(h, idx_v, isem):
        pltpu.make_async_copy(idx_hbm.at[h], idx_v, isem).start()

    def drain_i(idx_v, isem):
        pltpu.make_async_copy(idx_hbm.at[0], idx_v, isem).wait()

    def fire_g(idx_v, buf, gsem):
        pltpu.make_async_copy(
            tbl_hbm.at[pl.ds(wid * VOCAB, VOCAB)].at[idx_v], buf, gsem
        ).start()

    def drain_g(buf, gsem):
        pltpu.make_async_copy(out_hbm.at[0, 0], buf, gsem).wait()

    def fire_o(h, buf, osem):
        pltpu.make_async_copy(buf, out_hbm.at[h, wid], osem).start()

    def drain_o(buf, osem):
        pltpu.make_async_copy(buf, out_hbm.at[0, wid], osem).wait()

    def handle(h, idx_a, buf_a, isem_a, gsem_a, osem_a,
               idx_b, buf_b, isem_b, gsem_b, osem_b):
        drain_o(buf_a, osem_a)
        drain_i(idx_a, isem_a)
        fire_g(idx_a, buf_a, gsem_a)
        drain_g(buf_b, gsem_b)
        fire_o(h - 1, buf_b, osem_b)

        @pl.when(h + 1 < HIST)
        def _():
            fire_i(h + 1, idx_b, isem_b)

    fire_i(0, idx0, isem0)
    fire_i(1, idx1, isem1)
    drain_i(idx0, isem0)
    fire_g(idx0, buf0, gsem0)
    drain_i(idx1, isem1)
    fire_g(idx1, buf1, gsem1)
    drain_g(buf0, gsem0)
    fire_o(0, buf0, osem0)
    fire_i(2, idx0, isem0)

    def pair(i, _):
        h = 2 * i + 2
        handle(h, idx0, buf0, isem0, gsem0, osem0,
               idx1, buf1, isem1, gsem1, osem1)
        handle(h + 1, idx1, buf1, isem1, gsem1, osem1,
               idx0, buf0, isem0, gsem0, osem0)
        return 0

    lax.fori_loop(0, (HIST - 2) // 2, pair, 0)

    drain_g(buf1, gsem1)
    fire_o(HIST - 1, buf1, osem1)
    drain_o(buf0, osem0)
    drain_o(buf1, osem1)


def kernel(indices, table):
    idx_t = indices.T.astype(jnp.int32)
    tbl_flat = table.T.reshape(VOCAB * EMBED_DIM)
    out_p = _gather_kernel(idx_t, tbl_flat)
    return out_p.transpose(2, 0, 1)

# --- scband reference (transcript-rebuilt; emitter-appended) ---
"""Pipeline reference for scband-glove-embedding-89352499626526 (READ-ONLY COPY).

The authoritative reference and input builder live on the scoring server;
editing this copy changes nothing except your own understanding.
"""

import jax, jax.numpy as jnp
import numpy as np

VOCAB = 1000000
EMBED_DIM = 32
BATCH = 4096
HIST = 50

def setup_inputs(seed: int = 0) -> dict:
    key = jax.random.key(seed)
    k1, k2 = jax.random.split(key)
    indices = jax.random.randint(k1, (BATCH, HIST), 0, VOCAB, dtype=jnp.int64 if jax.config.jax_enable_x64 else jnp.int32)
    table = jax.random.normal(k2, (VOCAB, EMBED_DIM), dtype=jnp.float32)
    return {"indices": indices, "table": table}

def reference(indices, table):
    # Faithful to nn.Embedding lookup: embeddings(indices)
    return jnp.take(table, indices, axis=0)

if __name__ == "__main__":
    import jax
    _d = setup_inputs()
    print(jax.jit(kernel)(*tuple(_d.values())))

</pallas_src>

<mosaic_0001>
#map = affine_map<(d0, d1) -> (0, 0)>
#map1 = affine_map<(d0, d1) -> (0)>
#map2 = affine_map<(d0, d1) -> (0, 0, 0)>
module attributes {stable_mosaic.version = 14 : i64} {
  func.func @_gather_kernel(%arg0: i32, %arg1: i32, %arg2: memref<50x4096xi32, #tpu.memory_space<hbm>>, %arg3: memref<32000000xf32, #tpu.memory_space<hbm>>, %arg4: memref<50x32x4096xf32, #tpu.memory_space<hbm>>, %arg5: memref<4096xi32, #tpu.memory_space<vmem>>, %arg6: memref<4096xi32, #tpu.memory_space<vmem>>, %arg7: memref<4096xf32, #tpu.memory_space<vmem>>, %arg8: memref<4096xf32, #tpu.memory_space<vmem>>, %arg9: memref<!tpu.dma_semaphore, #tpu.memory_space<semaphore_mem>>, %arg10: memref<!tpu.dma_semaphore, #tpu.memory_space<semaphore_mem>>, %arg11: memref<!tpu.dma_semaphore, #tpu.memory_space<semaphore_mem>>, %arg12: memref<!tpu.dma_semaphore, #tpu.memory_space<semaphore_mem>>, %arg13: memref<!tpu.dma_semaphore, #tpu.memory_space<semaphore_mem>>, %arg14: memref<!tpu.dma_semaphore, #tpu.memory_space<semaphore_mem>>) attributes {dimension_semantics = [#tpu.dimension_semantics<core_parallel>, #tpu.dimension_semantics<subcore_parallel>], iteration_bounds = array<i64: 2, 16>, scalar_prefetch = 0 : i64, scratch_operands = 10 : i64, tpu.core_type = #tpu.core_type<sc_vector_subcore>, window_params = [{transform_indices = #map}, {transform_indices = #map1}, {transform_indices = #map2}]} {
    %mul3A = arith.constant 2 : i32
    %mul3A_0 = arith.muli %arg1, %mul3A : i32
    %add3A = arith.addi %mul3A_0, %arg0 : i32
    %dma_start3A = arith.constant 0 : i32
    %dma_start3A_1 = arith.constant 0 : i32
    %dma_start3A_2 = tpu.memref_slice %arg2[%dma_start3A, %dma_start3A_1] : memref<50x4096xi32, #tpu.memory_space<hbm>> -> memref<1x4096xi32, #tpu.memory_space<hbm>>
    %dma_start3A_3 = tpu.memref_squeeze %dma_start3A_2 : memref<1x4096xi32, #tpu.memory_space<hbm>> -> memref<4096xi32, #tpu.memory_space<hbm>>
    %dma_start3A_4 = arith.constant 0 : i32
    %dma_start3A_5 = tpu.memref_slice %arg2[%dma_start3A, %dma_start3A_4] : memref<50x4096xi32, #tpu.memory_space<hbm>> -> memref<1x4096xi32, #tpu.memory_space<hbm>>
    %dma_start3A_6 = tpu.memref_squeeze %dma_start3A_5 : memref<1x4096xi32, #tpu.memory_space<hbm>> -> memref<4096xi32, #tpu.memory_space<hbm>>
    tpu.enqueue_dma source(%dma_start3A_6 : memref<4096xi32, #tpu.memory_space<hbm>>) target(%arg5 : memref<4096xi32, #tpu.memory_space<vmem>>) target_semaphore(%arg9 : memref<!tpu.dma_semaphore, #tpu.memory_space<semaphore_mem>>)
    %dma_start3A_7 = arith.constant 1 : i32
    %dma_start3A_8 = arith.constant 0 : i32
    %dma_start3A_9 = tpu.memref_slice %arg2[%dma_start3A_7, %dma_start3A_8] : memref<50x4096xi32, #tpu.memory_space<hbm>> -> memref<1x4096xi32, #tpu.memory_space<hbm>>
    %dma_start3A_10 = tpu.memref_squeeze %dma_start3A_9 : memref<1x4096xi32, #tpu.memory_space<hbm>> -> memref<4096xi32, #tpu.memory_space<hbm>>
    %dma_start3A_11 = arith.constant 0 : i32
    %dma_start3A_12 = tpu.memref_slice %arg2[%dma_start3A_7, %dma_start3A_11] : memref<50x4096xi32, #tpu.memory_space<hbm>> -> memref<1x4096xi32, #tpu.memory_space<hbm>>
    %dma_start3A_13 = tpu.memref_squeeze %dma_start3A_12 : memref<1x4096xi32, #tpu.memory_space<hbm>> -> memref<4096xi32, #tpu.memory_space<hbm>>
    tpu.enqueue_dma source(%dma_start3A_13 : memref<4096xi32, #tpu.memory_space<hbm>>) target(%arg6 : memref<4096xi32, #tpu.memory_space<vmem>>) target_semaphore(%arg10 : memref<!tpu.dma_semaphore, #tpu.memory_space<semaphore_mem>>)
    %dma_wait3A = arith.constant 0 : i32
    %dma_wait3A_14 = arith.constant 0 : i32
    %dma_wait3A_15 = tpu.memref_slice %arg2[%dma_wait3A, %dma_wait3A_14] : memref<50x4096xi32, #tpu.memory_space<hbm>> -> memref<1x4096xi32, #tpu.memory_space<hbm>>
    %dma_wait3A_16 = tpu.memref_squeeze %dma_wait3A_15 : memref<1x4096xi32, #tpu.memory_space<hbm>> -> memref<4096xi32, #tpu.memory_space<hbm>>
    %dma_wait3A_17 = arith.constant 0 : i32
    %dma_wait3A_18 = tpu.memref_slice %arg2[%dma_wait3A, %dma_wait3A_17] : memref<50x4096xi32, #tpu.memory_space<hbm>> -> memref<1x4096xi32, #tpu.memory_space<hbm>>
    %dma_wait3A_19 = tpu.memref_squeeze %dma_wait3A_18 : memref<1x4096xi32, #tpu.memory_space<hbm>> -> memref<4096xi32, #tpu.memory_space<hbm>>
    tpu.wait_dma2 semaphore(%arg9 : memref<!tpu.dma_semaphore, #tpu.memory_space<semaphore_mem>>) src(%dma_wait3A_19 : memref<4096xi32, #tpu.memory_space<hbm>>) dst(%arg5 : memref<4096xi32, #tpu.memory_space<vmem>>)
    %mul3A_20 = arith.constant 1000000 : i32
    %mul3A_21 = arith.muli %add3A, %mul3A_20 : i32
    %dma_start3A_22 = tpu.memref_slice %arg3[%mul3A_21] : memref<32000000xf32, #tpu.memory_space<hbm>> -> memref<1000000xf32, #tpu.memory_space<hbm>>
    %dma_start3A_23 = arith.constant 0 : i32
    %dma_start3A_24 = tpu.memref_slice %dma_start3A_22[%dma_start3A_23] : memref<1000000xf32, #tpu.memory_space<hbm>> -> memref<1000000xf32, #tpu.memory_space<hbm>>
    tpu.enqueue_indirect_dma source(%dma_start3A_24 : memref<1000000xf32, #tpu.memory_space<hbm>>) target(%arg7 : memref<4096xf32, #tpu.memory_space<vmem>>) offsets(%arg5 : memref<4096xi32, #tpu.memory_space<vmem>>) semaphore(%arg11 : memref<!tpu.dma_semaphore, #tpu.memory_space<semaphore_mem>>)
    %dma_wait3A_25 = arith.constant 0 : i32
    %dma_wait3A_26 = arith.constant 0 : i32
    %dma_wait3A_27 = tpu.memref_slice %arg2[%dma_wait3A_25, %dma_wait3A_26] : memref<50x4096xi32, #tpu.memory_space<hbm>> -> memref<1x4096xi32, #tpu.memory_space<hbm>>
    %dma_wait3A_28 = tpu.memref_squeeze %dma_wait3A_27 : memref<1x4096xi32, #tpu.memory_space<hbm>> -> memref<4096xi32, #tpu.memory_space<hbm>>
    %dma_wait3A_29 = arith.constant 0 : i32
    %dma_wait3A_30 = tpu.memref_slice %arg2[%dma_wait3A_25, %dma_wait3A_29] : memref<50x4096xi32, #tpu.memory_space<hbm>> -> memref<1x4096xi32, #tpu.memory_space<hbm>>
    %dma_wait3A_31 = tpu.memref_squeeze %dma_wait3A_30 : memref<1x4096xi32, #tpu.memory_space<hbm>> -> memref<4096xi32, #tpu.memory_space<hbm>>
    tpu.wait_dma2 semaphore(%arg10 : memref<!tpu.dma_semaphore, #tpu.memory_space<semaphore_mem>>) src(%dma_wait3A_31 : memref<4096xi32, #tpu.memory_space<hbm>>) dst(%arg6 : memref<4096xi32, #tpu.memory_space<vmem>>)
    %mul3A_32 = arith.constant 1000000 : i32
    %mul3A_33 = arith.muli %add3A, %mul3A_32 : i32
    %dma_start3A_34 = tpu.memref_slice %arg3[%mul3A_33] : memref<32000000xf32, #tpu.memory_space<hbm>> -> memref<1000000xf32, #tpu.memory_space<hbm>>
    %dma_start3A_35 = arith.constant 0 : i32
    %dma_start3A_36 = tpu.memref_slice %dma_start3A_34[%dma_start3A_35] : memref<1000000xf32, #tpu.memory_space<hbm>> -> memref<1000000xf32, #tpu.memory_space<hbm>>
    tpu.enqueue_indirect_dma source(%dma_start3A_36 : memref<1000000xf32, #tpu.memory_space<hbm>>) target(%arg8 : memref<4096xf32, #tpu.memory_space<vmem>>) offsets(%arg6 : memref<4096xi32, #tpu.memory_space<vmem>>) semaphore(%arg12 : memref<!tpu.dma_semaphore, #tpu.memory_space<semaphore_mem>>)
    %dma_wait3A_37 = arith.constant 0 : i32
    %dma_wait3A_38 = arith.constant 0 : i32
    %dma_wait3A_39 = arith.constant 0 : i32
    %dma_wait3A_40 = tpu.memref_slice %arg4[%dma_wait3A_37, %dma_wait3A_38, %dma_wait3A_39] : memref<50x32x4096xf32, #tpu.memory_space<hbm>> -> memref<1x1x4096xf32, #tpu.memory_space<hbm>>
    %dma_wait3A_41 = tpu.memref_squeeze %dma_wait3A_40 : memref<1x1x4096xf32, #tpu.memory_space<hbm>> -> memref<4096xf32, #tpu.memory_space<hbm>>
    %dma_wait3A_42 = arith.constant 0 : i32
    %dma_wait3A_43 = tpu.memref_slice %arg4[%dma_wait3A_37, %dma_wait3A_38, %dma_wait3A_42] : memref<50x32x4096xf32, #tpu.memory_space<hbm>> -> memref<1x1x4096xf32, #tpu.memory_space<hbm>>
    %dma_wait3A_44 = tpu.memref_squeeze %dma_wait3A_43 : memref<1x1x4096xf32, #tpu.memory_space<hbm>> -> memref<4096xf32, #tpu.memory_space<hbm>>
    tpu.wait_dma2 semaphore(%arg11 : memref<!tpu.dma_semaphore, #tpu.memory_space<semaphore_mem>>) src(%dma_wait3A_44 : memref<4096xf32, #tpu.memory_space<hbm>>) dst(%arg7 : memref<4096xf32, #tpu.memory_space<vmem>>)
    %dma_start3A_45 = arith.constant 0 : i32
    %dma_start3A_46 = arith.constant 0 : i32
    %dma_start3A_47 = tpu.memref_slice %arg4[%dma_start3A_45, %add3A, %dma_start3A_46] : memref<50x32x4096xf32, #tpu.memory_space<hbm>> -> memref<1x1x4096xf32, #tpu.memory_space<hbm>>
    %dma_start3A_48 = tpu.memref_squeeze %dma_start3A_47 : memref<1x1x4096xf32, #tpu.memory_space<hbm>> -> memref<4096xf32, #tpu.memory_space<hbm>>
    %dma_start3A_49 = arith.constant 0 : i32
    %dma_start3A_50 = tpu.memref_slice %arg4[%dma_start3A_45, %add3A, %dma_start3A_49] : memref<50x32x4096xf32, #tpu.memory_space<hbm>> -> memref<1x1x4096xf32, #tpu.memory_space<hbm>>
    %dma_start3A_51 = tpu.memref_squeeze %dma_start3A_50 : memref<1x1x4096xf32, #tpu.memory_space<hbm>> -> memref<4096xf32, #tpu.memory_space<hbm>>
    tpu.enqueue_dma source(%arg7 : memref<4096xf32, #tpu.memory_space<vmem>>) target(%dma_start3A_51 : memref<4096xf32, #tpu.memory_space<hbm>>) target_semaphore(%arg13 : memref<!tpu.dma_semaphore, #tpu.memory_space<semaphore_mem>>)
    %dma_start3A_52 = arith.constant 2 : i32
    %dma_start3A_53 = arith.constant 0 : i32
    %dma_start3A_54 = tpu.memref_slice %arg2[%dma_start3A_52, %dma_start3A_53] : memref<50x4096xi32, #tpu.memory_space<hbm>> -> memref<1x4096xi32, #tpu.memory_space<hbm>>
    %dma_start3A_55 = tpu.memref_squeeze %dma_start3A_54 : memref<1x4096xi32, #tpu.memory_space<hbm>> -> memref<4096xi32, #tpu.memory_space<hbm>>
    %dma_start3A_56 = arith.constant 0 : i32
    %dma_start3A_57 = tpu.memref_slice %arg2[%dma_start3A_52, %dma_start3A_56] : memref<50x4096xi32, #tpu.memory_space<hbm>> -> memref<1x4096xi32, #tpu.memory_space<hbm>>
    %dma_start3A_58 = tpu.memref_squeeze %dma_start3A_57 : memref<1x4096xi32, #tpu.memory_space<hbm>> -> memref<4096xi32, #tpu.memory_space<hbm>>
    tpu.enqueue_dma source(%dma_start3A_58 : memref<4096xi32, #tpu.memory_space<hbm>>) target(%arg5 : memref<4096xi32, #tpu.memory_space<vmem>>) target_semaphore(%arg9 : memref<!tpu.dma_semaphore, #tpu.memory_space<semaphore_mem>>)
    %scan3A = arith.constant 0 : i32
    %scan3A_59 = arith.constant 0 : i32
    %scan3A_60 = arith.constant 24 : i32
    %scan3A_61 = arith.addi %scan3A_59, %scan3A_60 : i32
    %scan3A_62 = arith.constant 1 : i32
    %scan3A_63 = scf.for %scan3A_94 = %scan3A_59 to %scan3A_61 step %scan3A_62 iter_args(%scan3A_95 = %scan3A) -> (i32)  : i32 {
      %mul3A_96 = arith.constant 2 : i32
      %mul3A_97 = arith.muli %mul3A_96, %scan3A_94 : i32
      %add3A_98 = arith.constant 2 : i32
      %add3A_99 = arith.addi %mul3A_97, %add3A_98 : i32
      %dma_wait3A_100 = arith.constant 0 : i32
      %dma_wait3A_101 = arith.constant 0 : i32
      %dma_wait3A_102 = tpu.memref_slice %arg4[%dma_wait3A_100, %add3A, %dma_wait3A_101] : memref<50x32x4096xf32, #tpu.memory_space<hbm>> -> memref<1x1x4096xf32, #tpu.memory_space<hbm>>
      %dma_wait3A_103 = tpu.memref_squeeze %dma_wait3A_102 : memref<1x1x4096xf32, #tpu.memory_space<hbm>> -> memref<4096xf32, #tpu.memory_space<hbm>>
      %dma_wait3A_104 = arith.constant 0 : i32
      %dma_wait3A_105 = tpu.memref_slice %arg4[%dma_wait3A_100, %add3A, %dma_wait3A_104] : memref<50x32x4096xf32, #tpu.memory_space<hbm>> -> memref<1x1x4096xf32, #tpu.memory_space<hbm>>
      %dma_wait3A_106 = tpu.memref_squeeze %dma_wait3A_105 : memref<1x1x4096xf32, #tpu.memory_space<hbm>> -> memref<4096xf32, #tpu.memory_space<hbm>>
      tpu.wait_dma2 semaphore(%arg13 : memref<!tpu.dma_semaphore, #tpu.memory_space<semaphore_mem>>) src(%arg7 : memref<4096xf32, #tpu.memory_space<vmem>>) dst(%dma_wait3A_106 : memref<4096xf32, #tpu.memory_space<hbm>>)
      %dma_wait3A_107 = arith.constant 0 : i32
      %dma_wait3A_108 = arith.constant 0 : i32
      %dma_wait3A_109 = tpu.memref_slice %arg2[%dma_wait3A_107, %dma_wait3A_108] : memref<50x4096xi32, #tpu.memory_space<hbm>> -> memref<1x4096xi32, #tpu.memory_space<hbm>>
      %dma_wait3A_110 = tpu.memref_squeeze %dma_wait3A_109 : memref<1x4096xi32, #tpu.memory_space<hbm>> -> memref<4096xi32, #tpu.memory_space<hbm>>
      %dma_wait3A_111 = arith.constant 0 : i32
      %dma_wait3A_112 = tpu.memref_slice %arg2[%dma_wait3A_107, %dma_wait3A_111] : memref<50x4096xi32, #tpu.memory_space<hbm>> -> memref<1x4096xi32, #tpu.memory_space<hbm>>
      %dma_wait3A_113 = tpu.memref_squeeze %dma_wait3A_112 : memref<1x4096xi32, #tpu.memory_space<hbm>> -> memref<4096xi32, #tpu.memory_space<hbm>>
      tpu.wait_dma2 semaphore(%arg9 : memref<!tpu.dma_semaphore, #tpu.memory_space<semaphore_mem>>) src(%dma_wait3A_113 : memref<4096xi32, #tpu.memory_space<hbm>>) dst(%arg5 : memref<4096xi32, #tpu.memory_space<vmem>>)
      %mul3A_114 = arith.constant 1000000 : i32
      %mul3A_115 = arith.muli %add3A, %mul3A_114 : i32
      %dma_start3A_116 = tpu.memref_slice %arg3[%mul3A_115] : memref<32000000xf32, #tpu.memory_space<hbm>> -> memref<1000000xf32, #tpu.memory_space<hbm>>
      %dma_start3A_117 = arith.constant 0 : i32
      %dma_start3A_118 = tpu.memref_slice %dma_start3A_116[%dma_start3A_117] : memref<1000000xf32, #tpu.memory_space<hbm>> -> memref<1000000xf32, #tpu.memory_space<hbm>>
      tpu.enqueue_indirect_dma source(%dma_start3A_118 : memref<1000000xf32, #tpu.memory_space<hbm>>) target(%arg7 : memref<4096xf32, #tpu.memory_space<vmem>>) offsets(%arg5 : memref<4096xi32, #tpu.memory_space<vmem>>) semaphore(%arg11 : memref<!tpu.dma_semaphore, #tpu.memory_space<semaphore_mem>>)
      %dma_wait3A_119 = arith.constant 0 : i32
      %dma_wait3A_120 = arith.constant 0 : i32
      %dma_wait3A_121 = arith.constant 0 : i32
      %dma_wait3A_122 = tpu.memref_slice %arg4[%dma_wait3A_119, %dma_wait3A_120, %dma_wait3A_121] : memref<50x32x4096xf32, #tpu.memory_space<hbm>> -> memref<1x1x4096xf32, #tpu.memory_space<hbm>>
      %dma_wait3A_123 = tpu.memref_squeeze %dma_wait3A_122 : memref<1x1x4096xf32, #tpu.memory_space<hbm>> -> memref<4096xf32, #tpu.memory_space<hbm>>
      %dma_wait3A_124 = arith.constant 0 : i32
      %dma_wait3A_125 = tpu.memref_slice %arg4[%dma_wait3A_119, %dma_wait3A_120, %dma_wait3A_124] : memref<50x32x4096xf32, #tpu.memory_space<hbm>> -> memref<1x1x4096xf32, #tpu.memory_space<hbm>>
      %dma_wait3A_126 = tpu.memref_squeeze %dma_wait3A_125 : memref<1x1x4096xf32, #tpu.memory_space<hbm>> -> memref<4096xf32, #tpu.memory_space<hbm>>
      tpu.wait_dma2 semaphore(%arg12 : memref<!tpu.dma_semaphore, #tpu.memory_space<semaphore_mem>>) src(%dma_wait3A_126 : memref<4096xf32, #tpu.memory_space<hbm>>) dst(%arg8 : memref<4096xf32, #tpu.memory_space<vmem>>)
      %sub3A = arith.constant 1 : i32
      %sub3A_127 = arith.subi %add3A_99, %sub3A : i32
      %dma_start3A_128 = arith.constant 0 : i32
      %dma_start3A_129 = tpu.memref_slice %arg4[%sub3A_127, %add3A, %dma_start3A_128] : memref<50x32x4096xf32, #tpu.memory_space<hbm>> -> memref<1x1x4096xf32, #tpu.memory_space<hbm>>
      %dma_start3A_130 = tpu.memref_squeeze %dma_start3A_129 : memref<1x1x4096xf32, #tpu.memory_space<hbm>> -> memref<4096xf32, #tpu.memory_space<hbm>>
      %dma_start3A_131 = arith.constant 0 : i32
      %dma_start3A_132 = tpu.memref_slice %arg4[%sub3A_127, %add3A, %dma_start3A_131] : memref<50x32x4096xf32, #tpu.memory_space<hbm>> -> memref<1x1x4096xf32, #tpu.memory_space<hbm>>
      %dma_start3A_133 = tpu.memref_squeeze %dma_start3A_132 : memref<1x1x4096xf32, #tpu.memory_space<hbm>> -> memref<4096xf32, #tpu.memory_space<hbm>>
      tpu.enqueue_dma source(%arg8 : memref<4096xf32, #tpu.memory_space<vmem>>) target(%dma_start3A_133 : memref<4096xf32, #tpu.memory_space<hbm>>) target_semaphore(%arg14 : memref<!tpu.dma_semaphore, #tpu.memory_space<semaphore_mem>>)
      %add3A_134 = arith.constant 1 : i32
      %add3A_135 = arith.addi %add3A_99, %add3A_134 : i32
      %lt3A = arith.constant 50 : i32
      %lt3A_136 = arith.cmpi slt, %add3A_135, %lt3A : i32
      %convert_element_type3A = arith.extui %lt3A_136 : i1 to i32
      %cond3A = arith.constant 0 : i32
      %cond3A_137 = arith.cmpi ne, %convert_element_type3A, %cond3A : i32
      scf.if %cond3A_137 {
        %add3A_183 = arith.constant 1 : i32
        %add3A_184 = arith.addi %add3A_99, %add3A_183 : i32
        %dma_start3A_185 = arith.constant 0 : i32
        %dma_start3A_186 = tpu.memref_slice %arg2[%add3A_184, %dma_start3A_185] : memref<50x4096xi32, #tpu.memory_space<hbm>> -> memref<1x4096xi32, #tpu.memory_space<hbm>>
        %dma_start3A_187 = tpu.memref_squeeze %dma_start3A_186 : memref<1x4096xi32, #tpu.memory_space<hbm>> -> memref<4096xi32, #tpu.memory_space<hbm>>
        %dma_start3A_188 = arith.constant 0 : i32
        %dma_start3A_189 = tpu.memref_slice %arg2[%add3A_184, %dma_start3A_188] : memref<50x4096xi32, #tpu.memory_space<hbm>> -> memref<1x4096xi32, #tpu.memory_space<hbm>>
        %dma_start3A_190 = tpu.memref_squeeze %dma_start3A_189 : memref<1x4096xi32, #tpu.memory_space<hbm>> -> memref<4096xi32, #tpu.memory_space<hbm>>
        tpu.enqueue_dma source(%dma_start3A_190 : memref<4096xi32, #tpu.memory_space<hbm>>) target(%arg6 : memref<4096xi32, #tpu.memory_space<vmem>>) target_semaphore(%arg10 : memref<!tpu.dma_semaphore, #tpu.memory_space<semaphore_mem>>)
      } else {
      }
      %add3A_138 = arith.constant 1 : i32
      %add3A_139 = arith.addi %add3A_99, %add3A_138 : i32
      %dma_wait3A_140 = arith.constant 0 : i32
      %dma_wait3A_141 = arith.constant 0 : i32
      %dma_wait3A_142 = tpu.memref_slice %arg4[%dma_wait3A_140, %add3A, %dma_wait3A_141] : memref<50x32x4096xf32, #tpu.memory_space<hbm>> -> memref<1x1x4096xf32, #tpu.memory_space<hbm>>
      %dma_wait3A_143 = tpu.memref_squeeze %dma_wait3A_142 : memref<1x1x4096xf32, #tpu.memory_space<hbm>> -> memref<4096xf32, #tpu.memory_space<hbm>>
      %dma_wait3A_144 = arith.constant 0 : i32
      %dma_wait3A_145 = tpu.memref_slice %arg4[%dma_wait3A_140, %add3A, %dma_wait3A_144] : memref<50x32x4096xf32, #tpu.memory_space<hbm>> -> memref<1x1x4096xf32, #tpu.memory_space<hbm>>
      %dma_wait3A_146 = tpu.memref_squeeze %dma_wait3A_145 : memref<1x1x4096xf32, #tpu.memory_space<hbm>> -> memref<4096xf32, #tpu.memory_space<hbm>>
      tpu.wait_dma2 semaphore(%arg14 : memref<!tpu.dma_semaphore, #tpu.memory_space<semaphore_mem>>) src(%arg8 : memref<4096xf32, #tpu.memory_space<vmem>>) dst(%dma_wait3A_146 : memref<4096xf32, #tpu.memory_space<hbm>>)
      %dma_wait3A_147 = arith.constant 0 : i32
      %dma_wait3A_148 = arith.constant 0 : i32
      %dma_wait3A_149 = tpu.memref_slice %arg2[%dma_wait3A_147, %dma_wait3A_148] : memref<50x4096xi32, #tpu.memory_space<hbm>> -> memref<1x4096xi32, #tpu.memory_space<hbm>>
      %dma_wait3A_150 = tpu.memref_squeeze %dma_wait3A_149 : memref<1x4096xi32, #tpu.memory_space<hbm>> -> memref<4096xi32, #tpu.memory_space<hbm>>
      %dma_wait3A_151 = arith.constant 0 : i32
      %dma_wait3A_152 = tpu.memref_slice %arg2[%dma_wait3A_147, %dma_wait3A_151] : memref<50x4096xi32, #tpu.memory_space<hbm>> -> memref<1x4096xi32, #tpu.memory_space<hbm>>
      %dma_wait3A_153 = tpu.memref_squeeze %dma_wait3A_152 : memref<1x4096xi32, #tpu.memory_space<hbm>> -> memref<4096xi32, #tpu.memory_space<hbm>>
      tpu.wait_dma2 semaphore(%arg10 : memref<!tpu.dma_semaphore, #tpu.memory_space<semaphore_mem>>) src(%dma_wait3A_153 : memref<4096xi32, #tpu.memory_space<hbm>>) dst(%arg6 : memref<4096xi32, #tpu.memory_space<vmem>>)
      %mul3A_154 = arith.constant 1000000 : i32
      %mul3A_155 = arith.muli %add3A, %mul3A_154 : i32
      %dma_start3A_156 = tpu.memref_slice %arg3[%mul3A_155] : memref<32000000xf32, #tpu.memory_space<hbm>> -> memref<1000000xf32, #tpu.memory_space<hbm>>
      %dma_start3A_157 = arith.constant 0 : i32
      %dma_start3A_158 = tpu.memref_slice %dma_start3A_156[%dma_start3A_157] : memref<1000000xf32, #tpu.memory_space<hbm>> -> memref<1000000xf32, #tpu.memory_space<hbm>>
      tpu.enqueue_indirect_dma source(%dma_start3A_158 : memref<1000000xf32, #tpu.memory_space<hbm>>) target(%arg8 : memref<4096xf32, #tpu.memory_space<vmem>>) offsets(%arg6 : memref<4096xi32, #tpu.memory_space<vmem>>) semaphore(%arg12 : memref<!tpu.dma_semaphore, #tpu.memory_space<semaphore_mem>>)
      %dma_wait3A_159 = arith.constant 0 : i32
      %dma_wait3A_160 = arith.constant 0 : i32
      %dma_wait3A_161 = arith.constant 0 : i32
      %dma_wait3A_162 = tpu.memref_slice %arg4[%dma_wait3A_159, %dma_wait3A_160, %dma_wait3A_161] : memref<50x32x4096xf32, #tpu.memory_space<hbm>> -> memref<1x1x4096xf32, #tpu.memory_space<hbm>>
      %dma_wait3A_163 = tpu.memref_squeeze %dma_wait3A_162 : memref<1x1x4096xf32, #tpu.memory_space<hbm>> -> memref<4096xf32, #tpu.memory_space<hbm>>
      %dma_wait3A_164 = arith.constant 0 : i32
      %dma_wait3A_165 = tpu.memref_slice %arg4[%dma_wait3A_159, %dma_wait3A_160, %dma_wait3A_164] : memref<50x32x4096xf32, #tpu.memory_space<hbm>> -> memref<1x1x4096xf32, #tpu.memory_space<hbm>>
      %dma_wait3A_166 = tpu.memref_squeeze %dma_wait3A_165 : memref<1x1x4096xf32, #tpu.memory_space<hbm>> -> memref<4096xf32, #tpu.memory_space<hbm>>
      tpu.wait_dma2 semaphore(%arg11 : memref<!tpu.dma_semaphore, #tpu.memory_space<semaphore_mem>>) src(%dma_wait3A_166 : memref<4096xf32, #tpu.memory_space<hbm>>) dst(%arg7 : memref<4096xf32, #tpu.memory_space<vmem>>)
      %sub3A_167 = arith.constant 1 : i32
      %sub3A_168 = arith.subi %add3A_139, %sub3A_167 : i32
      %dma_start3A_169 = arith.constant 0 : i32
      %dma_start3A_170 = tpu.memref_slice %arg4[%sub3A_168, %add3A, %dma_start3A_169] : memref<50x32x4096xf32, #tpu.memory_space<hbm>> -> memref<1x1x4096xf32, #tpu.memory_space<hbm>>
      %dma_start3A_171 = tpu.memref_squeeze %dma_start3A_170 : memref<1x1x4096xf32, #tpu.memory_space<hbm>> -> memref<4096xf32, #tpu.memory_space<hbm>>
      %dma_start3A_172 = arith.constant 0 : i32
      %dma_start3A_173 = tpu.memref_slice %arg4[%sub3A_168, %add3A, %dma_start3A_172] : memref<50x32x4096xf32, #tpu.memory_space<hbm>> -> memref<1x1x4096xf32, #tpu.memory_space<hbm>>
      %dma_start3A_174 = tpu.memref_squeeze %dma_start3A_173 : memref<1x1x4096xf32, #tpu.memory_space<hbm>> -> memref<4096xf32, #tpu.memory_space<hbm>>
      tpu.enqueue_dma source(%arg7 : memref<4096xf32, #tpu.memory_space<vmem>>) target(%dma_start3A_174 : memref<4096xf32, #tpu.memory_space<hbm>>) target_semaphore(%arg13 : memref<!tpu.dma_semaphore, #tpu.memory_space<semaphore_mem>>)
      %add3A_175 = arith.constant 1 : i32
      %add3A_176 = arith.addi %add3A_139, %add3A_175 : i32
      %lt3A_177 = arith.constant 50 : i32
      %lt3A_178 = arith.cmpi slt, %add3A_176, %lt3A_177 : i32
      %convert_element_type3A_179 = arith.extui %lt3A_178 : i1 to i32
      %cond3A_180 = arith.constant 0 : i32
      %cond3A_181 = arith.cmpi ne, %convert_element_type3A_179, %cond3A_180 : i32
      scf.if %cond3A_181 {
        %add3A_183 = arith.constant 1 : i32
        %add3A_184 = arith.addi %add3A_139, %add3A_183 : i32
        %dma_start3A_185 = arith.constant 0 : i32
        %dma_start3A_186 = tpu.memref_slice %arg2[%add3A_184, %dma_start3A_185] : memref<50x4096xi32, #tpu.memory_space<hbm>> -> memref<1x4096xi32, #tpu.memory_space<hbm>>
        %dma_start3A_187 = tpu.memref_squeeze %dma_start3A_186 : memref<1x4096xi32, #tpu.memory_space<hbm>> -> memref<4096xi32, #tpu.memory_space<hbm>>
        %dma_start3A_188 = arith.constant 0 : i32
        %dma_start3A_189 = tpu.memref_slice %arg2[%add3A_184, %dma_start3A_188] : memref<50x4096xi32, #tpu.memory_space<hbm>> -> memref<1x4096xi32, #tpu.memory_space<hbm>>
        %dma_start3A_190 = tpu.memref_squeeze %dma_start3A_189 : memref<1x4096xi32, #tpu.memory_space<hbm>> -> memref<4096xi32, #tpu.memory_space<hbm>>
        tpu.enqueue_dma source(%dma_start3A_190 : memref<4096xi32, #tpu.memory_space<hbm>>) target(%arg5 : memref<4096xi32, #tpu.memory_space<vmem>>) target_semaphore(%arg9 : memref<!tpu.dma_semaphore, #tpu.memory_space<semaphore_mem>>)
      } else {
      }
      %scan3A_182 = arith.constant 0 : i32
      scf.yield %scan3A_182 : i32
    }
    %scan3A_64 = arith.constant 24 : i32
    %dma_wait3A_65 = arith.constant 0 : i32
    %dma_wait3A_66 = arith.constant 0 : i32
    %dma_wait3A_67 = arith.constant 0 : i32
    %dma_wait3A_68 = tpu.memref_slice %arg4[%dma_wait3A_65, %dma_wait3A_66, %dma_wait3A_67] : memref<50x32x4096xf32, #tpu.memory_space<hbm>> -> memref<1x1x4096xf32, #tpu.memory_space<hbm>>
    %dma_wait3A_69 = tpu.memref_squeeze %dma_wait3A_68 : memref<1x1x4096xf32, #tpu.memory_space<hbm>> -> memref<4096xf32, #tpu.memory_space<hbm>>
    %dma_wait3A_70 = arith.constant 0 : i32
    %dma_wait3A_71 = tpu.memref_slice %arg4[%dma_wait3A_65, %dma_wait3A_66, %dma_wait3A_70] : memref<50x32x4096xf32, #tpu.memory_space<hbm>> -> memref<1x1x4096xf32, #tpu.memory_space<hbm>>
    %dma_wait3A_72 = tpu.memref_squeeze %dma_wait3A_71 : memref<1x1x4096xf32, #tpu.memory_space<hbm>> -> memref<4096xf32, #tpu.memory_space<hbm>>
    tpu.wait_dma2 semaphore(%arg12 : memref<!tpu.dma_semaphore, #tpu.memory_space<semaphore_mem>>) src(%dma_wait3A_72 : memref<4096xf32, #tpu.memory_space<hbm>>) dst(%arg8 : memref<4096xf32, #tpu.memory_space<vmem>>)
    %dma_start3A_73 = arith.constant 49 : i32
    %dma_start3A_74 = arith.constant 0 : i32
    %dma_start3A_75 = tpu.memref_slice %arg4[%dma_start3A_73, %add3A, %dma_start3A_74] : memref<50x32x4096xf32, #tpu.memory_space<hbm>> -> memref<1x1x4096xf32, #tpu.memory_space<hbm>>
    %dma_start3A_76 = tpu.memref_squeeze %dma_start3A_75 : memref<1x1x4096xf32, #tpu.memory_space<hbm>> -> memref<4096xf32, #tpu.memory_space<hbm>>
    %dma_start3A_77 = arith.constant 0 : i32
    %dma_start3A_78 = tpu.memref_slice %arg4[%dma_start3A_73, %add3A, %dma_start3A_77] : memref<50x32x4096xf32, #tpu.memory_space<hbm>> -> memref<1x1x4096xf32, #tpu.memory_space<hbm>>
    %dma_start3A_79 = tpu.memref_squeeze %dma_start3A_78 : memref<1x1x4096xf32, #tpu.memory_space<hbm>> -> memref<4096xf32, #tpu.memory_space<hbm>>
    tpu.enqueue_dma source(%arg8 : memref<4096xf32, #tpu.memory_space<vmem>>) target(%dma_start3A_79 : memref<4096xf32, #tpu.memory_space<hbm>>) target_semaphore(%arg14 : memref<!tpu.dma_semaphore, #tpu.memory_space<semaphore_mem>>)
    %dma_wait3A_80 = arith.constant 0 : i32
    %dma_wait3A_81 = arith.constant 0 : i32
    %dma_wait3A_82 = tpu.memref_slice %arg4[%dma_wait3A_80, %add3A, %dma_wait3A_81] : memref<50x32x4096xf32, #tpu.memory_space<hbm>> -> memref<1x1x4096xf32, #tpu.memory_space<hbm>>
    %dma_wait3A_83 = tpu.memref_squeeze %dma_wait3A_82 : memref<1x1x4096xf32, #tpu.memory_space<hbm>> -> memref<4096xf32, #tpu.memory_space<hbm>>
    %dma_wait3A_84 = arith.constant 0 : i32
    %dma_wait3A_85 = tpu.memref_slice %arg4[%dma_wait3A_80, %add3A, %dma_wait3A_84] : memref<50x32x4096xf32, #tpu.memory_space<hbm>> -> memref<1x1x4096xf32, #tpu.memory_space<hbm>>
    %dma_wait3A_86 = tpu.memref_squeeze %dma_wait3A_85 : memref<1x1x4096xf32, #tpu.memory_space<hbm>> -> memref<4096xf32, #tpu.memory_space<hbm>>
    tpu.wait_dma2 semaphore(%arg13 : memref<!tpu.dma_semaphore, #tpu.memory_space<semaphore_mem>>) src(%arg7 : memref<4096xf32, #tpu.memory_space<vmem>>) dst(%dma_wait3A_86 : memref<4096xf32, #tpu.memory_space<hbm>>)
    %dma_wait3A_87 = arith.constant 0 : i32
    %dma_wait3A_88 = arith.constant 0 : i32
    %dma_wait3A_89 = tpu.memref_slice %arg4[%dma_wait3A_87, %add3A, %dma_wait3A_88] : memref<50x32x4096xf32, #tpu.memory_space<hbm>> -> memref<1x1x4096xf32, #tpu.memory_space<hbm>>
    %dma_wait3A_90 = tpu.memref_squeeze %dma_wait3A_89 : memref<1x1x4096xf32, #tpu.memory_space<hbm>> -> memref<4096xf32, #tpu.memory_space<hbm>>
    %dma_wait3A_91 = arith.constant 0 : i32
    %dma_wait3A_92 = tpu.memref_slice %arg4[%dma_wait3A_87, %add3A, %dma_wait3A_91] : memref<50x32x4096xf32, #tpu.memory_space<hbm>> -> memref<1x1x4096xf32, #tpu.memory_space<hbm>>
    %dma_wait3A_93 = tpu.memref_squeeze %dma_wait3A_92 : memref<1x1x4096xf32, #tpu.memory_space<hbm>> -> memref<4096xf32, #tpu.memory_space<hbm>>
    tpu.wait_dma2 semaphore(%arg14 : memref<!tpu.dma_semaphore, #tpu.memory_space<semaphore_mem>>) src(%arg8 : memref<4096xf32, #tpu.memory_space<vmem>>) dst(%dma_wait3A_93 : memref<4096xf32, #tpu.memory_space<hbm>>)
    return
  }
}

</mosaic_0001>

<sc_bundles>
// kernel: kernel.3.cloned.1.call-start
scs
__scs_entry_jumppad:
0x0: {  	(pc) =	sbr.rel $0x88, $3  }
0x1: {  	(tag) =	ssettag $0x0;
	lr =	simm.s32 $0x1  }
0x2: {  	[smem:$0x3F9F] =	sst lr;
	_ =	strace $0xD0000000  }
0x3: {  	_ = 	snop  }
0x4: {  	_ = 	snop  }
0x5: {  	_ = 	snop  }
0x6: {  	_ = 	snop  }
0x7: {  	_ = 	snop  }
__scs_overlays_trampoline_lowered:
0x8: {  	[smem:$0x3FAE] =	sst s0  }
0x9: {  	[smem:$0x3FAF] =	sst s1  }
0xa: {  	[smem:$0x3FB0] =	sst s2  }
0xb: {  	[smem:$0x3FB1] =	sst s3  }
0xc: {  	[smem:$0x3FB2] =	sst s4  }
0xd: {  	[smem:$0x3FB3] =	sst s5  }
0xe: {  	[smem:$0x3FB4] =	sst s6  }
0xf: {  	[smem:$0x3FB5] =	sst s7  }
0x10: {  	[smem:$0x3FB6] =	sst s8  }
0x11: {  	[smem:$0x3FB7] =	sst s9;
	s0 =	simm.s32 @!p0 $0x0  }
0x12: {  	s1 =	sld [smem:$0x3F9D];
	s0 =	simm.s32 @p0 $0x1  }
0x13: {  	[smem:$0x3FB8] =	sst s0;
	s0 =	simm.s32 @!p1 $0x0  }
0x14: {  	s2 =	sld [smem:$0x3F9C];
	s0 =	simm.s32 @p1 $0x1  }
0x15: {  	[smem:$0x3FB9] =	sst s0;
	s0 =	simm.s32 @!p2 $0x0  }
0x16: {  	s3 =	sld [smem:$0x3FDB];
	s0 =	simm.s32 @p2 $0x1  }
0x17: {  	s4 =	simm.s32 $0x1BF5;
	[smem:$0x3FBB] =	sst s0  }
0x18: {  	s0 =	sld [smem:$0x3F9E];
	_ =	swait.ge [sflag:s4], $0x0  }
0x19: {  	s7 =	sld [smem:$0x3F9F]  }
0x1a: {  	s8 =	sadd.s32 $0xFFFFE003, lr  }
0x1b: {  	s9 =	sadd.s32 $0xFFFFFEF7, lr;
	s5 =	simm.s32 $0xFFFFFFFF;
	p2 =	slt.u32 s8, $0xFFFFF086  }
0x1c: {  	p1 =	slt.u32 s9, $0xF7A;
	s5 =	simm.s32 @!p2 $0x0  }
0x1d: {  	s5 =	simm.s32 @p1 $0x1;
	p0 =	seq.s32 s7, s2  }
0x1e: {  	s7 =	smul.u32 @!p0 $0xF7A, s2;
	p2 =	seq.s32 @!p0 s5, $0x0  }
0x1f: {  	s9 =	smul.u32 $0xF7A, s1;
	s8 =	simm.s32 @!p0 $0x1BF5;
	p2 =	por !p2, p0  }
0x20: {  	[sflag:s8] =	ssyncset.s32 @!p0 $0xFFFFF086;
	s6 =	sadd.s32 @!p0 s3, s7;
	s7 =	simm.s32 @!p0 $0x108  }
0x21: {  	s3 =	sadd.s32 s3, s9;
	s6 =	sadd.s32 @!p0 $0x88, s6;
	s7 =	simm.s32 @p2 $0x1082  }
0x22: {  	[simem:s7], [sflag:s8] =	dma.local @!p0 [hbm:s6], $0xF7A  }
0x23: {  	s9 =	sor.u32 $0xD0000000, s2;
	s6 =	simm.s32 $0x108;
	_ =	swait.ge @!p0 [sflag:s8], $0x0  }
0x24: {  	s3 =	sadd.s32 $0x88, s3;
	s6 =	simm.s32 @!p1 $0x1082;
	[sflag:s4] =	ssyncset.s32 $0xFFFFF086  }
0x25: {  	[simem:s6], [sflag:s4] =	dma.local [hbm:s3], $0xF7A  }
0x26: {  	[smem:$0x3F9F] =	sst s1;
	(tag) =	ssettag s2;
	_ =	strace s9  }
0x27: {  	s1 =	sld [smem:$0x3FAF]  }
0x28: {  	s2 =	sld [smem:$0x3FB0]  }
0x29: {  	s4 =	sld [smem:$0x3FB2]  }
0x2a: {  	p0 =	seq.s32 s5, $0x0;
	s5 =	sld [smem:$0x3FB3]  }
0x2b: {  	s6 =	sld [smem:$0x3FB4]  }
0x2c: {  	s7 =	sld [smem:$0x3FB5]  }
0x2d: {  	s3 =	simm.s32 $0x108;
	s8 =	sld [smem:$0x3FB6]  }
0x2e: {  	s3 =	simm.s32 @!p0 $0x1082;
	s9 =	sld [smem:$0x3FB7]  }
0x2f: {  	lr =	sadd.s32 s0, s3;
	s0 =	sld [smem:$0x3FAE]  }
0x30: {  	s3 =	sld [smem:$0x3FB1]  }
0x31: {  	[smem:$0x3FBA] =	sst s10  }
0x32: {  	s10 =	sld [smem:$0x3FB8];
	_ =	sdelay $0x3  }
0x33: {  	p0 =	seq.s32 s10, $0x1;
	s10 =	sld [smem:$0x3FBA];
	_ =	sdelay $0x3  }
0x34: {  	[smem:$0x3FBA] =	sst s10  }
0x35: {  	s10 =	sld [smem:$0x3FB9];
	_ =	sdelay $0x3  }
0x36: {  	p1 =	seq.s32 s10, $0x1;
	s10 =	sld [smem:$0x3FBA];
	_ =	sdelay $0x3  }
0x37: {  	[smem:$0x3FBA] =	sst s10  }
0x38: {  	s10 =	sld [smem:$0x3FBB]  }
0x39: {  	_ = 	snop;
	(pc) =	sbr.ind lr, $3  }
0x3a: {  	_ = 	snop  }
0x3b: {  	_ = 	snop  }
0x3c: {  	p2 =	seq.s32 s10, $0x1;
	s10 =	sld [smem:$0x3FBA]  }
0x3d: {  	_ =	shalt  }
0x3e: {  	_ =	shalt  }
0x3f: {  	_ =	shalt  }
0x40: {  	_ =	shalt  }
0x41: {  	_ =	shalt  }
0x42: {  	_ =	shalt  }
0x43: {  	_ =	shalt  }
0x44: {  	_ =	shalt  }
0x45: {  	_ =	shalt  }
0x46: {  	_ =	shalt  }
0x47: {  	_ =	shalt  }
0x48: {  	_ =	shalt  }
0x49: {  	_ =	shalt  }
0x4a: {  	_ =	shalt  }
0x4b: {  	_ =	shalt  }
0x4c: {  	_ =	shalt  }
0x4d: {  	_ =	shalt  }
0x4e: {  	_ =	shalt  }
0x4f: {  	_ =	shalt  }
0x50: {  	_ =	shalt  }
0x51: {  	_ =	shalt  }
0x52: {  	_ =	shalt  }
0x53: {  	_ =	shalt  }
0x54: {  	_ =	shalt  }
0x55: {  	_ =	shalt  }
0x56: {  	_ =	shalt  }
0x57: {  	_ =	shalt  }
0x58: {  	_ =	shalt  }
0x59: {  	_ =	shalt  }
0x5a: {  	_ =	shalt  }
0x5b: {  	_ =	shalt  }
0x5c: {  	_ =	shalt  }
0x5d: {  	_ =	shalt  }
0x5e: {  	_ =	shalt  }
0x5f: {  	_ =	shalt  }
0x60: {  	_ =	shalt  }
0x61: {  	_ =	shalt  }
0x62: {  	_ =	shalt  }
0x63: {  	_ =	shalt  }
0x64: {  	_ =	shalt  }
0x65: {  	_ =	shalt  }
0x66: {  	_ =	shalt  }
0x67: {  	_ =	shalt  }
0x68: {  	_ =	shalt  }
0x69: {  	_ =	shalt  }
0x6a: {  	_ =	shalt  }
0x6b: {  	_ =	shalt  }
0x6c: {  	_ =	shalt  }
0x6d: {  	_ =	shalt  }
0x6e: {  	_ =	shalt  }
0x6f: {  	_ =	shalt  }
0x70: {  	_ =	shalt  }
0x71: {  	_ =	shalt  }
0x72: {  	_ =	shalt  }
0x73: {  	_ =	shalt  }
0x74: {  	_ =	shalt  }
0x75: {  	_ =	shalt  }
0x76: {  	_ =	shalt  }
0x77: {  	_ =	shalt  }
0x78: {  	_ =	shalt  }
0x79: {  	_ =	shalt  }
0x7a: {  	_ =	shalt  }
0x7b: {  	_ =	shalt  }
0x7c: {  	_ =	shalt  }
0x7d: {  	_ =	shalt  }
0x7e: {  	_ =	shalt  }
0x7f: {  	_ =	shalt  }
0x80: {  	_ =	shalt  }
0x81: {  	_ =	shalt  }
0x82: {  	_ =	shalt  }
0x83: {  	_ =	shalt  }
0x84: {  	_ =	shalt  }
0x85: {  	_ =	shalt  }
0x86: {  	_ =	shalt  }
0x87: {  	_ =	shalt  }
.Lfunc_end0:
.L_simem_size_0:
called_computation_lowered:
.L_overlay_start_0:
0x88: {  	s2 =	sld [smem:$0x3FD9]  }
0x89: {  	s3 =	sld [smem:$0x3FFE];
	_ =	sdelay $0x1  }
0x8a: {  	s1 =	srdreg.scid  }
0x8b: {  	s0 =	sand.u32 $0x1, s1  }
0x8c: {  	s17 =	sshll.u32 s0, $0xA;
	s2 =	sadd.s32 s3, s2  }
0x8d: {  	s2 =	sadd.s32 s2, s17  }
0x8e: {  	[smem:$0x3FC6] =	sst s2  }
0x8f: {  	_ = 	snop  }
0x90: {  	s2 =	sld [smem:$0x3FD0];
	(tm) =	ssettm $0x1  }
0x91: {  	s18 =	sld [smem:$0x3FFB];
	_ =	sdelay $0x3  }
0x92: {  	_ =	strace s18  }
0x93: {  	s3 =	sld [smem:$0x3FFC];
	_ =	sdelay $0x3  }
0x94: {  	_ =	strace s3  }
0x95: {  	s3 =	sld [smem:$0x3FFD];
	_ =	sdelay $0x3  }
0x96: {  	_ =	strace s3  }
0x97: {  	_ =	strace $0x8FFFFFFF  }
0x98: {  	s19 =	sld [smem:$0x3FDB];
	_ =	sdelay $0x1  }
0x99: {  	s4 =	simm.s32 $_scs_section_size  }
0x9a: {  	s5 =	simm.s32 $_size__tile_overlayer_lowered;
	s6 =	simm.s32 $_tile_overlayer_lowered  }
0x9b: {  	s22 =	simm.s32 $0x1BFF;
	s21 =	sshll.u32 s6, $0x1;
	s3 =	sadd.s32 s4, s19  }
0x9c: {  	s7 =	simm.s32 $0x0;
	s20 =	sshll.u32 s5, $0x1;
	s5 =	sadd.s32 s21, s3  }
0x9d: {  	[timem:s7], [sflag:s22] =	dma.local [hbm:s5], s20  }
0x9e: {  	_ =	swait.ge [sflag:s22], s20  }
0x9f: {  	s4 =	ssub.s32 $0x0, s20;
	[sflag:s22] =	ssyncset.done $0x0  }
0xa0: {  	[sflag:s22] =	ssyncadd.s32 s4;
	_ =	sdelay $0x1  }
0xa1: {  	s23 =	simm.s32 $0x1B8B  }
0xa2: {  	_ =	swait.ge [sflag:s23], $0x1  }
0xa3: {  	[sflag:s23] =	ssyncset.done $0x0  }
0xa4: {  	s25 =	simm.s32 $0x1B8E;
	s24 =	sld [smem:$0x3FFE];
	[sflag:s23] =	ssyncadd.s32 $0xFFFFFFFF  }
0xa5: {  	s26 =	simm.s32 $execute0_lowered;
	[smem:$0x3FD2] =	sst s25  }
0xa6: {  	s5 =	sshll.u32 s26, $0x1;
	_ =	strace $0x80000046;
	[dreg:$0x1] =	wrdreg $0xFFFFFFFF  }
0xa7: {  	s28 =	simm.s32 $_size_execute0_lowered;
	s3 =	sadd.s32 s3, s5;
	[dreg:$0x0] =	wrdreg $0x0  }
0xa8: {  	s5 =	sshll.u32 s28, $0x1;
	[dreg:$0x2] =	wrdreg s3  }
0xa9: {  	[dreg:$0x3] =	wrdreg s5  }
0xaa: {  	[dreg:$0x4] =	wrdreg $0xC0  }
0xab: {  	_ =	task [dreg:s7], $0x5FFFF  }
0xac: {  	[dreg:$0x1] =	wrdreg $0xFFFFFFFF  }
0xad: {  	[dreg:$0x0] =	wrdreg $0x60  }
0xae: {  	[dreg:$0x2] =	wrdreg s2  }
0xaf: {  	[dreg:$0x3] =	wrdreg s24  }
0xb0: {  	[dreg:$0x4] =	wrdreg $0x9  }
0xb1: {  	_ =	task.clear_ibuf [dreg:s7], $0x5FFFF;
	_ =	strace $0x90000046  }
0xb2: {  	s29 =	simm.s32 $0x9;
	_ =	strace $0x80000048  }
0xb3: {  	_ =	swait.ge [sflag:s29], $0x1  }
0xb4: {  	[sflag:s29] =	ssyncadd.s32 $0xFFFFFFFF  }
0xb5: {  	_ =	strace $0x90000048  }
0xb6: {  	_ =	sfence  }
0xb7: {  	s30 =	sld [smem:$0x0];
	_ =	sdelay $0x2  }
0xb8: {  	s31 =	sshll.u32 s1, $0xD;
	s1 =	sshrl.u32 s1, $0x2  }
0xb9: {  	s3 =	sand.u32 $0x4000, s31;
	s1 =	sadd.s32 s1, s30  }
0xba: {  	s0 =	sor.u32 s3, s0;
	s1 =	sshll.u32 s1, $0x11  }
0xbb: {  	s0 =	sor.u32 s1, s0  }
0xbc: {  	s0 =	sadd.s32 $0x8F2B, s0  }
0xbd: {  	[sflag:s0] =	ssyncadd.remote.s32 $0x1  }
0xbe: {  	_ =	sfence.sel $0xFFFF  }
0xbf: {  	[dreg:$0x0] =	wrdreg $0xFFFFFFFF;
	(pc) =	sbr.abs _section_cstart, $3  }
0xc0: {  	[dreg:$0x1] =	wrdreg $0xFFFFFFFF  }
0xc1: {  	_ =	task.clear_ibuf [dreg:s7], $0x2FFFF;
	_ =	strace $0x9FFFFFFF  }
0xc2: {  	(tm) =	ssettm $0x7FFFFFFF  }
0xc3: {  	_ =	shalt  }
tec
execute0_lowered:
.L_overlay_start_1:
0x0: {  	(tag) =	ssettag $0x1  }
0x1: {  	s1 =	srdreg.scid;
	s2 =	rddreg [dreg:$0x0]  }
0x2: {  	s0 =	stileid.u32;
	s4 =	rddreg [dreg:$0x1]  }
0x3: {  	s3 =	simm.s32 $0x0;
	s17 =	simm.s32 $0x1000;
	s18 =	simm.s32 $0x1  }
0x4: {  	s19 =	simm.s32 $0x2000;
	s20 =	simm.s32 $0x2;
	s21 =	simm.s32 $0x3000  }
0x5: {  	s22 =	simm.s32 $0x3;
	s23 =	simm.s32 $0x5;
	s24 =	simm.s32 $0x4  }
0x6: {  	s25 =	simm.s32 $0x6;
	s26 =	simm.s32 $0x0;
	s11 =	sand.u32 $0x1, s1  }
0x7: {  	s30 =	sshll.u32 s0, $0x1;
	[smem:$0x7FF] =	sst s3;
	s13 =	sshll.u32 s0, $0xD  }
0x8: {  	s12 =	sadd.s32 $0x6200, s2;
	s16 =	sadd.s32 $0x800, s2;
	s5 =	sor.u32 s11, s30  }
0x9: {  	_ =	strace $0x80000047;
	s31 =	ssub.s32 $0x2, s11;
	s14 =	sshll.u32 s11, $0xC  }
0xa: {  	s6 =	smul.u32 $0x1E848, s5;
	s8 =	sshrl.u32 s31, $0x1;
	s9 =	sshll.u32 s5, $0x9  }
0xb: {  	s5 =	sadd.s32 $0x200, s2;
	s15 =	sor.u32 s14, s13;
	s10 =	ssub.s32 s31, s8  }
0xc: {  	s8 =	sadd.s32 $0x400, s2;
	s14 =	sor.u32 $0x40000, s15;
	s15 =	sshrl.u32 s15, $0x3  }
0xd: {  	s7 =	sadd.s32 s6, s4;
	s4 =	sadd.s32 $0x3D0C00, s4;
	s10 =	smax.u32 s10, $0x1  }
0xe: {  	s6 =	sadd.s32 s4, s9;
	s7 =	sadd.s32 $0x200, s7;
	s15 =	sadd.s32 s15, s4  }
0xf: {  	s9 =	sadd.s32 $0xC4000, s6;
	s11 =	sadd.s32 $0xBC000, s6;
	s13 =	sadd.s32 $0xC0000, s6  }
.LBB2_1:
0x10: {  	[tilespmem:s3], [sflag:$0x1] =	stream.linear.gather [hbm4b:s2+s3], $0x1000, $0x38;
	[tilespmem:$0x4000] =	vst v63  }
0x11: {  	_ = 	snop  }
0x12: {  	[tilespmem:s17], [sflag:$0x2] =	stream.linear.gather [hbm4b:s5+s3], $0x1000, $0x38;
	[tilespmem:$0x4000] =	vst v63  }
0x13: {  	_ =	swait.ge [sflag:s18], $0x1000  }
0x14: {  	[sflag:s18] =	ssyncset.done $0x0  }
0x15: {  	[sflag:s18] =	ssyncadd.s32 $0xFFFFF000  }
0x16: {  	[tilespmem:s19], [sflag:$0x3] =	stream.indirect.gather [hbm4b:s7+s17], $0x1, s3, s17, $0xb8;
	[tilespmem:$0x4000] =	vst v63  }
0x17: {  	_ =	swait.ge [sflag:s20], $0x1000  }
0x18: {  	[sflag:s20] =	ssyncset.done $0x0  }
0x19: {  	[sflag:s20] =	ssyncadd.s32 $0xFFFFF000  }
0x1a: {  	[tilespmem:s21], [sflag:$0x4] =	stream.indirect.gather [hbm4b:s7+s17], $0x1, s17, s17, $0xb8;
	[tilespmem:$0x4000] =	vst v63  }
0x1b: {  	_ =	swait.ge [sflag:s22], $0x1000  }
0x1c: {  	[sflag:s22] =	ssyncset.done $0x0  }
0x1d: {  	[sflag:s22] =	ssyncadd.s32 $0xFFFFF000  }
0x1e: {  	[hbm4b:s6+s3] =	stream.linear.scatter [tilespmem:s19], [sflag:$0x5], $0x1000, $0x38;
	[tilespmem:$0x4000] =	vst v63  }
0x1f: {  	_ = 	snop  }
0x20: {  	[tilespmem:s3], [sflag:$0x1] =	stream.linear.gather [hbm4b:s8+s3], $0x1000, $0x38;
	[tilespmem:$0x4000] =	vst v63  }
0x21: {  	_ =	swait.ge [sflag:s23], $0x1000  }
0x22: {  	[sflag:s23] =	ssyncset.done $0x0  }
0x23: {  	[sflag:s23] =	ssyncadd.s32 $0xFFFFF000  }
0x24: {  	_ =	swait.ge [sflag:s18], $0x1000  }
0x25: {  	[sflag:s18] =	ssyncset.done $0x0  }
0x26: {  	[sflag:s18] =	ssyncadd.s32 $0xFFFFF000  }
0x27: {  	[tilespmem:s19], [sflag:$0x3] =	stream.indirect.gather [hbm4b:s7+s17], $0x1, s3, s17, $0xb8;
	[tilespmem:$0x4000] =	vst v63  }
0x28: {  	_ =	swait.ge [sflag:s24], $0x1000  }
0x29: {  	[sflag:s24] =	ssyncset.done $0x0  }
0x2a: {  	s28 =	sadd.s32 $0x4000, s15;
	[sflag:s24] =	ssyncadd.s32 $0xFFFFF000  }
0x2b: {  	[hbm4b:s28+s3] =	stream.linear.scatter [tilespmem:s21], [sflag:$0x6], $0x1000, $0x38;
	[tilespmem:$0x4000] =	vst v63  }
0x2c: {  	s28 =	sadd.s32 $0xFFFFFE00, s16  }
0x2d: {  	[tilespmem:s17], [sflag:$0x2] =	stream.linear.gather [hbm4b:s28+s3], $0x1000, $0x38;
	[tilespmem:$0x4000] =	vst v63  }
0x2e: {  	_ =	swait.ge [sflag:s25], $0x1000  }
0x2f: {  	[sflag:s25] =	ssyncset.done $0x0  }
0x30: {  	[sflag:s25] =	ssyncadd.s32 $0xFFFFF000  }
0x31: {  	_ =	swait.ge [sflag:s20], $0x1000  }
0x32: {  	[sflag:s20] =	ssyncset.done $0x0  }
0x33: {  	[sflag:s20] =	ssyncadd.s32 $0xFFFFF000  }
0x34: {  	[tilespmem:s21], [sflag:$0x4] =	stream.indirect.gather [hbm4b:s7+s17], $0x1, s17, s17, $0xb8;
	[tilespmem:$0x4000] =	vst v63  }
0x35: {  	_ =	swait.ge [sflag:s22], $0x1000  }
0x36: {  	s28 =	sshrl.u32 s14, $0x3;
	[sflag:s22] =	ssyncset.done $0x0  }
0x37: {  	s29 =	sadd.s32 $0x40000, s14;
	s28 =	sadd.s32 s4, s28;
	[sflag:s22] =	ssyncadd.s32 $0xFFFFF000  }
0x38: {  	[hbm4b:s28+s3] =	stream.linear.scatter [tilespmem:s19], [sflag:$0x5], $0x1000, $0x38;
	[tilespmem:$0x4000] =	vst v63  }
0x39: {  	s30 =	sadd.s32 $0x400, s16;
	s31 =	smov.u32 s16;
	s28 =	simm.s32 $0xC000  }
.LBB2_2:
0x3a: {  	[tilespmem:s3], [sflag:$0x1] =	stream.linear.gather [hbm4b:s31+s3], $0x1000, $0x38;
	[tilespmem:$0x4000] =	vst v63  }
0x3b: {  	s1 =	smov.u32 s28;
	s31 =	smov.u32 s30  }
0x3c: {  	p0 =	sne.s32 s28, $0xB4000;
	s28 =	sadd.s32 $0x8000, s28;
	_ =	swait.ge [sflag:s23], $0x1000  }
0x3d: {  	[sflag:s23] =	ssyncset.done $0x0  }
0x3e: {  	[sflag:s23] =	ssyncadd.s32 $0xFFFFF000  }
0x3f: {  	_ =	swait.ge [sflag:s18], $0x1000  }
0x40: {  	[sflag:s18] =	ssyncset.done $0x0  }
0x41: {  	[sflag:s18] =	ssyncadd.s32 $0xFFFFF000  }
0x42: {  	[tilespmem:s19], [sflag:$0x3] =	stream.indirect.gather [hbm4b:s7+s17], $0x1, s3, s17, $0xb8;
	[tilespmem:$0x4000] =	vst v63  }
0x43: {  	_ =	swait.ge [sflag:s24], $0x1000  }
0x44: {  	[sflag:s24] =	ssyncset.done $0x0  }
0x45: {  	s1 =	sadd.s32 s1, s15;
	[sflag:s24] =	ssyncadd.s32 $0xFFFFF000  }
0x46: {  	[hbm4b:s1+s3] =	stream.linear.scatter [tilespmem:s21], [sflag:$0x6], $0x1000, $0x38;
	[tilespmem:$0x4000] =	vst v63  }
0x47: {  	s1 =	sadd.s32 $0xFFFFFE00, s30  }
0x48: {  	[tilespmem:s17], [sflag:$0x2] =	stream.linear.gather [hbm4b:s1+s3], $0x1000, $0x38;
	[tilespmem:$0x4000] =	vst v63  }
0x49: {  	_ =	swait.ge [sflag:s25], $0x1000  }
0x4a: {  	[sflag:s25] =	ssyncset.done $0x0  }
0x4b: {  	[sflag:s25] =	ssyncadd.s32 $0xFFFFF000  }
0x4c: {  	_ =	swait.ge [sflag:s20], $0x1000  }
0x4d: {  	[sflag:s20] =	ssyncset.done $0x0  }
0x4e: {  	[sflag:s20] =	ssyncadd.s32 $0xFFFFF000  }
0x4f: {  	[tilespmem:s21], [sflag:$0x4] =	stream.indirect.gather [hbm4b:s7+s17], $0x1, s17, s17, $0xb8;
	[tilespmem:$0x4000] =	vst v63  }
.Ltmp0:
0x50: {  	_ =	swait.ge [sflag:s22], $0x1000;
	(pc) =	sbr.rel @p0 .LBB2_2-.Ltmp0, $4  }
0x51: {  	s1 =	sshrl.u32 s29, $0x3;
	[sflag:s22] =	ssyncset.done $0x0  }
0x52: {  	s1 =	sadd.s32 s4, s1;
	[sflag:s22] =	ssyncadd.s32 $0xFFFFF000  }
0x53: {  	[hbm4b:s1+s3] =	stream.linear.scatter [tilespmem:s19], [sflag:$0x5], $0x1000, $0x38;
	[tilespmem:$0x4000] =	vst v63  }
0x54: {  	s30 =	sadd.s32 $0x400, s30;
	s29 =	sadd.s32 $0x40000, s29  }
0x55: {  	[tilespmem:s3], [sflag:$0x1] =	stream.linear.gather [hbm4b:s31+s3], $0x1000, $0x38;
	[tilespmem:$0x4000] =	vst v63  }
0x56: {  	_ =	swait.ge [sflag:s23], $0x1000  }
0x57: {  	[sflag:s23] =	ssyncset.done $0x0  }
0x58: {  	[sflag:s23] =	ssyncadd.s32 $0xFFFFF000  }
0x59: {  	_ =	swait.ge [sflag:s18], $0x1000  }
0x5a: {  	[sflag:s18] =	ssyncset.done $0x0  }
0x5b: {  	[sflag:s18] =	ssyncadd.s32 $0xFFFFF000  }
0x5c: {  	[tilespmem:s19], [sflag:$0x3] =	stream.indirect.gather [hbm4b:s7+s17], $0x1, s3, s17, $0xb8;
	[tilespmem:$0x4000] =	vst v63  }
0x5d: {  	_ =	swait.ge [sflag:s24], $0x1000  }
0x5e: {  	[sflag:s24] =	ssyncset.done $0x0  }
0x5f: {  	[sflag:s24] =	ssyncadd.s32 $0xFFFFF000  }
0x60: {  	[hbm4b:s11+s3] =	stream.linear.scatter [tilespmem:s21], [sflag:$0x6], $0x1000, $0x38;
	[tilespmem:$0x4000] =	vst v63  }
0x61: {  	_ = 	snop  }
0x62: {  	[tilespmem:s17], [sflag:$0x2] =	stream.linear.gather [hbm4b:s12+s3], $0x1000, $0x38;
	[tilespmem:$0x4000] =	vst v63  }
0x63: {  	_ =	swait.ge [sflag:s25], $0x1000  }
0x64: {  	[sflag:s25] =	ssyncset.done $0x0  }
0x65: {  	[sflag:s25] =	ssyncadd.s32 $0xFFFFF000  }
0x66: {  	_ =	swait.ge [sflag:s20], $0x1000  }
0x67: {  	[sflag:s20] =	ssyncset.done $0x0  }
0x68: {  	[sflag:s20] =	ssyncadd.s32 $0xFFFFF000  }
0x69: {  	[tilespmem:s21], [sflag:$0x4] =	stream.indirect.gather [hbm4b:s7+s17], $0x1, s17, s17, $0xb8;
	[tilespmem:$0x4000] =	vst v63  }
0x6a: {  	_ =	swait.ge [sflag:s22], $0x1000  }
0x6b: {  	[sflag:s22] =	ssyncset.done $0x0  }
0x6c: {  	[sflag:s22] =	ssyncadd.s32 $0xFFFFF000  }
0x6d: {  	[hbm4b:s13+s3] =	stream.linear.scatter [tilespmem:s19], [sflag:$0x5], $0x1000, $0x38;
	[tilespmem:$0x4000] =	vst v63  }
0x6e: {  	_ =	swait.ge [sflag:s24], $0x1000  }
0x6f: {  	[sflag:s24] =	ssyncset.done $0x0  }
0x70: {  	s26 =	sadd.s32 $0x1, s26;
	[sflag:s24] =	ssyncadd.s32 $0xFFFFF000  }
0x71: {  	[hbm4b:s9+s3] =	stream.linear.scatter [tilespmem:s21], [sflag:$0x6], $0x1000, $0x38;
	[tilespmem:$0x4000] =	vst v63  }
0x72: {  	p0 =	sne.s32 s26, s10;
	_ =	swait.ge [sflag:s23], $0x1000  }
.Ltmp1:
0x73: {  	[sflag:s23] =	ssyncset.done $0x0;
	(pc) =	sbr.rel @p0 .LBB2_1-.Ltmp1, $4  }
0x74: {  	[sflag:s23] =	ssyncadd.s32 $0xFFFFF000  }
0x75: {  	_ =	swait.ge [sflag:s25], $0x1000  }
0x76: {  	[sflag:s25] =	ssyncset.done $0x0  }
0x77: {  	[sflag:s25] =	ssyncadd.s32 $0xFFFFF000  }
0x78: {  	_ =	sfence.sel $0x180000  }
0x79: {  	[bflag:$0x0] =	sbarrier.arrive $0xFFFF  }
0x7a: {  	_ =	strace $0x90000047  }
0x7b: {  	[bflag:$0x2] =	sbarrier.arrive $0xFFFF  }
0x7c: {  	p0 =	sne.s32 s0, $0x0;
	s0 =	rddreg [dreg:$0x2]  }
0x7d: {  	s0 =	sadd.s32 @!p0 $0x100000, s0  }
0x7e: {  	[sflag:s0] =	ssyncadd.tile.s32 @!p0 $0x1;
	_ =	shalt  }
.Lfunc_end2:
_tile_overlayer_lowered:
.L_overlay_start_2:
0x7f: {  	(tag) =	ssettag $0x2  }
0x80: {  	s0 =	rddreg [dreg:$0x0];
	s2 =	stileid.u32  }
0x81: {  	s1 =	rddreg [dreg:$0x1];
	p0 =	sne.s32 s2, $0x0  }
0x82: {  	s3 =	rddreg [dreg:$0x2];
	[bflag:$0x3] =	sbarrier.arrive $0xFFFF;
	s2 =	simm.s32 @!p0 $0x1C07  }
0x83: {  	[timem:s3], [sflag:s2] =	dma.local @!p0 [hbm:s0], s1  }
0x84: {  	s0 =	simm.s32 @!p0 $0x7  }
0x85: {  	_ =	swait.ge @!p0 [sflag:s0], s1  }
0x86: {  	s1 =	ssub.s32 @!p0 $0x0, s1;
	[sflag:s0] =	ssyncset.done @!p0 $0x0  }
0x87: {  	[sflag:s0] =	ssyncadd.s32 @!p0 s1  }
0x88: {  	[bflag:$0x3] =	sbarrier.arrive $0xFFFF  }
0x89: {  	_ =	shalt  }

</sc_bundles>
